<compile_context>
chip_gen: v7x
topology: tpu7x:2x2x1
jax: 0.10.2.dev20260603
libtpu: 0.0.44.dev20260713+nightly
codegen_flags: <defaults>
</compile_context>

<pallas_src>
import functools

import jax
import jax.numpy as jnp
from jax import lax
from jax.experimental import pallas as pl
from jax.experimental.pallas import tpu as pltpu
from jax.experimental.pallas import tpu_sc as plsc

B, K, D, T = 16384, 8192, 64, 3
BB = 1024
BK = 1024


def _dist_kernel(x_ref, regt_ref, wt_ref, b_ref, min_ref, idx_ref,
                 c2_ref, rbf_ref):
    @pl.when(pl.program_id(0) == 0)
    def _init():
        for c in range(K // BK):
            ch = regt_ref[:, c * BK:(c + 1) * BK]
            c2_ref[:, c * BK:(c + 1) * BK] = jnp.sum(ch * ch, axis=0,
                                                     keepdims=True)
            rbf_ref[:, c * BK:(c + 1) * BK] = ch.astype(jnp.bfloat16)

    xe = jnp.dot(x_ref[...].astype(jnp.bfloat16),
                 wt_ref[...].astype(jnp.bfloat16),
                 preferred_element_type=jnp.float32) + b_ref[...]
    x2 = jnp.sum(xe * xe, axis=1, keepdims=True)
    xm2_bf = ((-2.0) * xe).astype(jnp.bfloat16)
    iota = lax.broadcasted_iota(jnp.int32, (1, BK), 1).astype(jnp.float32)
    best = None
    bidx = None
    for c in range(K // BK):
        pm2 = jnp.dot(xm2_bf, rbf_ref[:, c * BK:(c + 1) * BK],
                      preferred_element_type=jnp.float32)
        d2n = c2_ref[:, c * BK:(c + 1) * BK] + pm2
        tmin = jnp.min(d2n, axis=1, keepdims=True)
        tloc = jnp.min(jnp.where(d2n == tmin, iota, jnp.float32(K)),
                       axis=1, keepdims=True)
        tidx = tloc + jnp.float32(c * BK)
        if best is None:
            best, bidx = tmin, tidx
        else:
            upd = tmin < best
            bidx = jnp.where(upd, tidx, bidx)
            best = jnp.where(upd, tmin, best)
    min_ref[...] = jnp.sqrt(jnp.maximum(best + x2, 0.0))
    idx_ref[...] = bidx.astype(jnp.int32)


def _distance_argmin(x_encoded, regt, wt, b2d):
    grid = (B // BB,)
    return pl.pallas_call(
        _dist_kernel,
        grid=grid,
        in_specs=[
            pl.BlockSpec((BB, D), lambda i: (i, 0)),
            pl.BlockSpec((D, K), lambda i: (0, 0)),
            pl.BlockSpec((D, D), lambda i: (0, 0)),
            pl.BlockSpec((1, D), lambda i: (0, 0)),
        ],
        out_specs=[
            pl.BlockSpec((BB, 1), lambda i: (i, 0)),
            pl.BlockSpec((BB, 1), lambda i: (i, 0)),
        ],
        out_shape=[
            jax.ShapeDtypeStruct((B, 1), jnp.float32),
            jax.ShapeDtypeStruct((B, 1), jnp.int32),
        ],
        scratch_shapes=[
            pltpu.VMEM((1, K), jnp.float32),
            pltpu.VMEM((D, K), jnp.bfloat16),
        ],
        compiler_params=pltpu.CompilerParams(
            dimension_semantics=("arbitrary",),
        ),
    )(x_encoded, regt, wt, b2d)


def _make_sc_gather():
    info = plsc.get_sparse_core_info()
    nw = info.num_cores * info.num_subcores
    b_per_w = B // nw
    mesh = plsc.VectorSubcoreMesh(core_axis_name="c", subcore_axis_name="s")

    @functools.partial(
        pl.kernel, mesh=mesh,
        out_type=jax.ShapeDtypeStruct((B, T * D), jnp.float32),
        compiler_params=pltpu.CompilerParams(use_tc_tiling_on_sc=False),
        scratch_types=[
            pltpu.VMEM((b_per_w,), jnp.int32),
            pltpu.VMEM((b_per_w, D), jnp.float32),
            pltpu.SemaphoreType.DMA,
        ],
    )
    def gather(table_hbm, idx_hbm, out_hbm, idx_v, rows_v, sem):
        wid = lax.axis_index("s") * info.num_cores + lax.axis_index("c")
        base = wid * b_per_w
        pltpu.sync_copy(idx_hbm.at[pl.ds(base, b_per_w)], idx_v)
        pltpu.async_copy(table_hbm.at[idx_v], rows_v, sem).wait()
        for t in range(T):
            pltpu.sync_copy(
                rows_v, out_hbm.at[pl.ds(base, b_per_w), pl.ds(t * D, D)])

    return gather


_sc_gather = None


def kernel(x_encoded, register, W, b):
    global _sc_gather
    if _sc_gather is None:
        _sc_gather = _make_sc_gather()
    regt = register.T
    wt = W.T
    b2d = b.reshape(1, D)
    min_d, idx2d = _distance_argmin(x_encoded, regt, wt, b2d)
    closest_idx = idx2d.reshape(B)
    min_dist = min_d.reshape(B)
    tokens_flat = _sc_gather(register, closest_idx)
    register_tokens = tokens_flat.reshape(B, T, D)
    return register_tokens, closest_idx, min_dist

# --- scband reference (transcript-rebuilt; emitter-appended) ---
"""Pipeline reference for scband-tsregister-27135603376573 (READ-ONLY COPY).

The authoritative reference and input builder live on the scoring server;
editing this copy changes nothing except your own understanding.
"""

import jax, jax.numpy as jnp
import numpy as np

B, K, D, T = 16384, 8192, 64, 3

def setup_inputs(seed: int = 0) -> dict:
    key = jax.random.key(seed)
    k1, k2, k3, k4 = jax.random.split(key, 4)
    x_encoded = jax.random.normal(k1, (B, D), dtype=jnp.float32)
    register = jax.random.normal(k2, (K, D), dtype=jnp.float32)
    # nn.Linear(d_model, d_model) params
    W = jax.random.normal(k3, (D, D), dtype=jnp.float32) / jnp.sqrt(D)
    b = jax.random.normal(k4, (D,), dtype=jnp.float32) * 0.01
    return {"x_encoded": x_encoded, "register": register, "W": W, "b": b}

def reference(x_encoded, register, W, b):
    # get_register_tokens(x_encoded, mode='pretrain')
    # data_projection
    xe = x_encoded @ W.T + b
    # torch.cdist(xe.unsqueeze(1), register.unsqueeze(0)) -> [B, 1, K]; use
    # ||x-c||^2 = ||x||^2 + ||c||^2 - 2 x.c (same math, avoids materializing [B,K,D])
    x2 = jnp.sum(xe * xe, axis=-1, keepdims=True)            # [B,1]
    c2 = jnp.sum(register * register, axis=-1)[None, :]       # [1,K]
    d2 = jnp.maximum(x2 + c2 - 2.0 * (xe @ register.T), 0.0)  # [B,K]
    distances = jnp.sqrt(d2)
    closest_idx = jnp.argmin(distances, axis=-1)               # [B]
    min_dist = jnp.min(distances, axis=-1)                     # [B]
    selected_centers = jnp.take(register, closest_idx, axis=0) # [B,D] gather
    register_tokens = jnp.broadcast_to(selected_centers[:, None, :], (B, T, D))
    return register_tokens, closest_idx, min_dist

if __name__ == "__main__":
    import jax
    _d = setup_inputs()
    print(jax.jit(kernel)(*tuple(_d.values())))

</pallas_src>

<mosaic_0001>
#map = affine_map<(d0, d1) -> (0, 0)>
#map1 = affine_map<(d0, d1) -> (0)>
module attributes {stable_mosaic.version = 14 : i64} {
  func.func @gather(%arg0: i32, %arg1: i32, %arg2: memref<8192x64xf32, #tpu.memory_space<hbm>>, %arg3: memref<16384xi32, #tpu.memory_space<hbm>>, %arg4: memref<16384x192xf32, #tpu.memory_space<hbm>>, %arg5: memref<512xi32, #tpu.memory_space<vmem>>, %arg6: memref<512x64xf32, #tpu.memory_space<vmem>>, %arg7: memref<!tpu.dma_semaphore, #tpu.memory_space<semaphore_mem>>) attributes {dimension_semantics = [#tpu.dimension_semantics<core_parallel>, #tpu.dimension_semantics<subcore_parallel>], iteration_bounds = array<i64: 2, 16>, scalar_prefetch = 0 : i64, scratch_operands = 3 : i64, tpu.core_type = #tpu.core_type<sc_vector_subcore>, window_params = [{transform_indices = #map}, {transform_indices = #map1}, {transform_indices = #map}]} {
    %mul3A = arith.constant 2 : i32
    %mul3A_0 = arith.muli %arg1, %mul3A : i32
    %add3A = arith.addi %mul3A_0, %arg0 : i32
    %mul3A_1 = arith.constant 512 : i32
    %mul3A_2 = arith.muli %add3A, %mul3A_1 : i32
    "tpu.region"() ({
      %run_scoped3A = tpu.sem_alloc : memref<!tpu.dma_semaphore, #tpu.memory_space<semaphore_mem>>
      %dma_start3A_7 = tpu.memref_slice %arg3[%mul3A_2] : memref<16384xi32, #tpu.memory_space<hbm>> -> memref<512xi32, #tpu.memory_space<hbm>>
      %dma_start3A_8 = tpu.memref_slice %arg3[%mul3A_2] : memref<16384xi32, #tpu.memory_space<hbm>> -> memref<512xi32, #tpu.memory_space<hbm>>
      tpu.enqueue_dma source(%dma_start3A_8 : memref<512xi32, #tpu.memory_space<hbm>>) target(%arg5 : memref<512xi32, #tpu.memory_space<vmem>>) target_semaphore(%run_scoped3A : memref<!tpu.dma_semaphore, #tpu.memory_space<semaphore_mem>>)
      %dma_wait3A_9 = tpu.memref_slice %arg3[%mul3A_2] : memref<16384xi32, #tpu.memory_space<hbm>> -> memref<512xi32, #tpu.memory_space<hbm>>
      %dma_wait3A_10 = tpu.memref_slice %arg3[%mul3A_2] : memref<16384xi32, #tpu.memory_space<hbm>> -> memref<512xi32, #tpu.memory_space<hbm>>
      tpu.wait_dma2 semaphore(%run_scoped3A : memref<!tpu.dma_semaphore, #tpu.memory_space<semaphore_mem>>) src(%dma_wait3A_10 : memref<512xi32, #tpu.memory_space<hbm>>) dst(%arg5 : memref<512xi32, #tpu.memory_space<vmem>>)
      tpu.yield
    }) : () -> ()
    %dma_start3A = arith.constant 0 : i32
    %dma_start3A_3 = arith.constant 0 : i32
    %dma_start3A_4 = tpu.memref_slice %arg2[%dma_start3A, %dma_start3A_3] : memref<8192x64xf32, #tpu.memory_space<hbm>> -> memref<8192x64xf32, #tpu.memory_space<hbm>>
    tpu.enqueue_indirect_dma source(%dma_start3A_4 : memref<8192x64xf32, #tpu.memory_space<hbm>>) target(%arg6 : memref<512x64xf32, #tpu.memory_space<vmem>>) offsets(%arg5 : memref<512xi32, #tpu.memory_space<vmem>>) semaphore(%arg7 : memref<!tpu.dma_semaphore, #tpu.memory_space<semaphore_mem>>)
    %dma_wait3A = arith.constant 0 : i32
    %dma_wait3A_5 = arith.constant 0 : i32
    %dma_wait3A_6 = tpu.memref_slice %arg2[%dma_wait3A, %dma_wait3A_5] : memref<8192x64xf32, #tpu.memory_space<hbm>> -> memref<8192x64xf32, #tpu.memory_space<hbm>>
    tpu.wait_indirect_dma semaphore(%arg7 : memref<!tpu.dma_semaphore, #tpu.memory_space<semaphore_mem>>) src(%dma_wait3A_6 : memref<8192x64xf32, #tpu.memory_space<hbm>>) dst(%arg6 : memref<512x64xf32, #tpu.memory_space<vmem>>)
    "tpu.region"() ({
      %run_scoped3A = tpu.sem_alloc : memref<!tpu.dma_semaphore, #tpu.memory_space<semaphore_mem>>
      %dma_start3A_7 = arith.constant 0 : i32
      %dma_start3A_8 = tpu.memref_slice %arg4[%mul3A_2, %dma_start3A_7] : memref<16384x192xf32, #tpu.memory_space<hbm>> -> memref<512x64xf32, #tpu.memory_space<hbm>>
      %dma_start3A_9 = arith.constant 0 : i32
      %dma_start3A_10 = tpu.memref_slice %arg4[%mul3A_2, %dma_start3A_9] : memref<16384x192xf32, #tpu.memory_space<hbm>> -> memref<512x64xf32, #tpu.memory_space<hbm>>
      tpu.enqueue_dma source(%arg6 : memref<512x64xf32, #tpu.memory_space<vmem>>) target(%dma_start3A_10 : memref<512x64xf32, #tpu.memory_space<hbm>>) target_semaphore(%run_scoped3A : memref<!tpu.dma_semaphore, #tpu.memory_space<semaphore_mem>>)
      %dma_wait3A_11 = arith.constant 0 : i32
      %dma_wait3A_12 = tpu.memref_slice %arg4[%mul3A_2, %dma_wait3A_11] : memref<16384x192xf32, #tpu.memory_space<hbm>> -> memref<512x64xf32, #tpu.memory_space<hbm>>
      %dma_wait3A_13 = arith.constant 0 : i32
      %dma_wait3A_14 = tpu.memref_slice %arg4[%mul3A_2, %dma_wait3A_13] : memref<16384x192xf32, #tpu.memory_space<hbm>> -> memref<512x64xf32, #tpu.memory_space<hbm>>
      tpu.wait_dma2 semaphore(%run_scoped3A : memref<!tpu.dma_semaphore, #tpu.memory_space<semaphore_mem>>) src(%arg6 : memref<512x64xf32, #tpu.memory_space<vmem>>) dst(%dma_wait3A_14 : memref<512x64xf32, #tpu.memory_space<hbm>>)
      tpu.yield
    }) : () -> ()
    "tpu.region"() ({
      %run_scoped3A = tpu.sem_alloc : memref<!tpu.dma_semaphore, #tpu.memory_space<semaphore_mem>>
      %dma_start3A_7 = arith.constant 64 : i32
      %dma_start3A_8 = tpu.memref_slice %arg4[%mul3A_2, %dma_start3A_7] : memref<16384x192xf32, #tpu.memory_space<hbm>> -> memref<512x64xf32, #tpu.memory_space<hbm>>
      %dma_start3A_9 = arith.constant 64 : i32
      %dma_start3A_10 = tpu.memref_slice %arg4[%mul3A_2, %dma_start3A_9] : memref<16384x192xf32, #tpu.memory_space<hbm>> -> memref<512x64xf32, #tpu.memory_space<hbm>>
      tpu.enqueue_dma source(%arg6 : memref<512x64xf32, #tpu.memory_space<vmem>>) target(%dma_start3A_10 : memref<512x64xf32, #tpu.memory_space<hbm>>) target_semaphore(%run_scoped3A : memref<!tpu.dma_semaphore, #tpu.memory_space<semaphore_mem>>)
      %dma_wait3A_11 = arith.constant 64 : i32
      %dma_wait3A_12 = tpu.memref_slice %arg4[%mul3A_2, %dma_wait3A_11] : memref<16384x192xf32, #tpu.memory_space<hbm>> -> memref<512x64xf32, #tpu.memory_space<hbm>>
      %dma_wait3A_13 = arith.constant 64 : i32
      %dma_wait3A_14 = tpu.memref_slice %arg4[%mul3A_2, %dma_wait3A_13] : memref<16384x192xf32, #tpu.memory_space<hbm>> -> memref<512x64xf32, #tpu.memory_space<hbm>>
      tpu.wait_dma2 semaphore(%run_scoped3A : memref<!tpu.dma_semaphore, #tpu.memory_space<semaphore_mem>>) src(%arg6 : memref<512x64xf32, #tpu.memory_space<vmem>>) dst(%dma_wait3A_14 : memref<512x64xf32, #tpu.memory_space<hbm>>)
      tpu.yield
    }) : () -> ()
    "tpu.region"() ({
      %run_scoped3A = tpu.sem_alloc : memref<!tpu.dma_semaphore, #tpu.memory_space<semaphore_mem>>
      %dma_start3A_7 = arith.constant 128 : i32
      %dma_start3A_8 = tpu.memref_slice %arg4[%mul3A_2, %dma_start3A_7] : memref<16384x192xf32, #tpu.memory_space<hbm>> -> memref<512x64xf32, #tpu.memory_space<hbm>>
      %dma_start3A_9 = arith.constant 128 : i32
      %dma_start3A_10 = tpu.memref_slice %arg4[%mul3A_2, %dma_start3A_9] : memref<16384x192xf32, #tpu.memory_space<hbm>> -> memref<512x64xf32, #tpu.memory_space<hbm>>
      tpu.enqueue_dma source(%arg6 : memref<512x64xf32, #tpu.memory_space<vmem>>) target(%dma_start3A_10 : memref<512x64xf32, #tpu.memory_space<hbm>>) target_semaphore(%run_scoped3A : memref<!tpu.dma_semaphore, #tpu.memory_space<semaphore_mem>>)
      %dma_wait3A_11 = arith.constant 128 : i32
      %dma_wait3A_12 = tpu.memref_slice %arg4[%mul3A_2, %dma_wait3A_11] : memref<16384x192xf32, #tpu.memory_space<hbm>> -> memref<512x64xf32, #tpu.memory_space<hbm>>
      %dma_wait3A_13 = arith.constant 128 : i32
      %dma_wait3A_14 = tpu.memref_slice %arg4[%mul3A_2, %dma_wait3A_13] : memref<16384x192xf32, #tpu.memory_space<hbm>> -> memref<512x64xf32, #tpu.memory_space<hbm>>
      tpu.wait_dma2 semaphore(%run_scoped3A : memref<!tpu.dma_semaphore, #tpu.memory_space<semaphore_mem>>) src(%arg6 : memref<512x64xf32, #tpu.memory_space<vmem>>) dst(%dma_wait3A_14 : memref<512x64xf32, #tpu.memory_space<hbm>>)
      tpu.yield
    }) : () -> ()
    return
  }
}

module attributes {stable_mosaic.version = 14 : i64} {
  func.func @_dist_kernel(%arg0: i32, %arg1: memref<1024x64xf32, #tpu.memory_space<vmem>>, %arg2: memref<64x8192xf32, #tpu.memory_space<vmem>>, %arg3: memref<64x64xf32, #tpu.memory_space<vmem>>, %arg4: memref<1x64xf32, #tpu.memory_space<vmem>>, %arg5: memref<1024x1xf32, #tpu.memory_space<vmem>>, %arg6: memref<1024x1xi32, #tpu.memory_space<vmem>>, %arg7: memref<1x8192xf32, #tpu.memory_space<vmem>>, %arg8: memref<64x8192xbf16, #tpu.memory_space<vmem>>) attributes {dimension_semantics = [#tpu.dimension_semantics<arbitrary>], iteration_bounds = array<i64: 16>, scalar_prefetch = 0 : i64, scratch_operands = 2 : i64, tpu.core_type = #tpu.core_type<tc>, window_params = [{transform_indices = @transform_0, window_bounds = array<i64: 1024, 64>}, {pipeline_mode = #tpu.pipeline_mode<synchronous>, transform_indices = @transform_1, window_bounds = array<i64: 64, 8192>}, {pipeline_mode = #tpu.pipeline_mode<synchronous>, transform_indices = @transform_2, window_bounds = array<i64: 64, 64>}, {pipeline_mode = #tpu.pipeline_mode<synchronous>, transform_indices = @transform_3, window_bounds = array<i64: 1, 64>}, {transform_indices = @transform_4, window_bounds = array<i64: 1024, 1>}, {transform_indices = @transform_5, window_bounds = array<i64: 1024, 1>}]} {
    %eq3A = arith.constant 0 : i32
    %eq3A_0 = arith.cmpi eq, %arg0, %eq3A : i32
    %convert_element_type3A = arith.extui %eq3A_0 : i1 to i32
    %cond3A = arith.constant 0 : i32
    %cond3A_1 = arith.cmpi ne, %convert_element_type3A, %cond3A : i32
    scf.if %cond3A_1 {
      %get3A_254 = arith.constant 0 : index
      %get3A_255 = arith.constant 0 : index
      %get3A_256 = vector.load %arg2[%get3A_254, %get3A_255] : memref<64x8192xf32, #tpu.memory_space<vmem>>, vector<64x1024xf32>
      %mul3A_257 = arith.mulf %get3A_256, %get3A_256 : vector<64x1024xf32>
      %reduce_sum3A_258 = arith.constant dense<0.000000e+00> : vector<1024xf32>
      %reduce_sum3A_259 = vector.multi_reduction <add>, %mul3A_257, %reduce_sum3A_258 [0] : vector<64x1024xf32> to vector<1024xf32>
      %broadcast_in_dim3A_260 = vector.shape_cast %reduce_sum3A_259 : vector<1024xf32> to vector<1x1024xf32>
      %swap3A_261 = arith.constant 0 : index
      %swap3A_262 = arith.constant 0 : index
      %swap3A_263 = vector.load %arg7[%swap3A_261, %swap3A_262] : memref<1x8192xf32, #tpu.memory_space<vmem>>, vector<1x1024xf32>
      tpu.vector_store %arg7[%swap3A_261, %swap3A_262], %broadcast_in_dim3A_260 {strides = array<i32>} : memref<1x8192xf32, #tpu.memory_space<vmem>>, vector<1x1024xf32>,
      %convert_element_type3A_264 = arith.truncf %get3A_256 : vector<64x1024xf32> to vector<64x1024xbf16>
      %swap3A_265 = arith.constant 0 : index
      %swap3A_266 = arith.constant 0 : index
      %swap3A_267 = vector.load %arg8[%swap3A_265, %swap3A_266] : memref<64x8192xbf16, #tpu.memory_space<vmem>>, vector<64x1024xbf16>
      tpu.vector_store %arg8[%swap3A_265, %swap3A_266], %convert_element_type3A_264 {strides = array<i32>} : memref<64x8192xbf16, #tpu.memory_space<vmem>>, vector<64x1024xbf16>,
      %get3A_268 = arith.constant 0 : index
      %get3A_269 = arith.constant 1024 : index
      %get3A_270 = vector.load %arg2[%get3A_268, %get3A_269] : memref<64x8192xf32, #tpu.memory_space<vmem>>, vector<64x1024xf32>
      %mul3A_271 = arith.mulf %get3A_270, %get3A_270 : vector<64x1024xf32>
      %reduce_sum3A_272 = arith.constant dense<0.000000e+00> : vector<1024xf32>
      %reduce_sum3A_273 = vector.multi_reduction <add>, %mul3A_271, %reduce_sum3A_272 [0] : vector<64x1024xf32> to vector<1024xf32>
      %broadcast_in_dim3A_274 = vector.shape_cast %reduce_sum3A_273 : vector<1024xf32> to vector<1x1024xf32>
      %swap3A_275 = arith.constant 0 : index
      %swap3A_276 = arith.constant 1024 : index
      %swap3A_277 = vector.load %arg7[%swap3A_275, %swap3A_276] : memref<1x8192xf32, #tpu.memory_space<vmem>>, vector<1x1024xf32>
      tpu.vector_store %arg7[%swap3A_275, %swap3A_276], %broadcast_in_dim3A_274 {strides = array<i32>} : memref<1x8192xf32, #tpu.memory_space<vmem>>, vector<1x1024xf32>,
      %convert_element_type3A_278 = arith.truncf %get3A_270 : vector<64x1024xf32> to vector<64x1024xbf16>
      %swap3A_279 = arith.constant 0 : index
      %swap3A_280 = arith.constant 1024 : index
      %swap3A_281 = vector.load %arg8[%swap3A_279, %swap3A_280] : memref<64x8192xbf16, #tpu.memory_space<vmem>>, vector<64x1024xbf16>
      tpu.vector_store %arg8[%swap3A_279, %swap3A_280], %convert_element_type3A_278 {strides = array<i32>} : memref<64x8192xbf16, #tpu.memory_space<vmem>>, vector<64x1024xbf16>,
      %get3A_282 = arith.constant 0 : index
      %get3A_283 = arith.constant 2048 : index
      %get3A_284 = vector.load %arg2[%get3A_282, %get3A_283] : memref<64x8192xf32, #tpu.memory_space<vmem>>, vector<64x1024xf32>
      %mul3A_285 = arith.mulf %get3A_284, %get3A_284 : vector<64x1024xf32>
      %reduce_sum3A_286 = arith.constant dense<0.000000e+00> : vector<1024xf32>
      %reduce_sum3A_287 = vector.multi_reduction <add>, %mul3A_285, %reduce_sum3A_286 [0] : vector<64x1024xf32> to vector<1024xf32>
      %broadcast_in_dim3A_288 = vector.shape_cast %reduce_sum3A_287 : vector<1024xf32> to vector<1x1024xf32>
      %swap3A_289 = arith.constant 0 : index
      %swap3A_290 = arith.constant 2048 : index
      %swap3A_291 = vector.load %arg7[%swap3A_289, %swap3A_290] : memref<1x8192xf32, #tpu.memory_space<vmem>>, vector<1x1024xf32>
      tpu.vector_store %arg7[%swap3A_289, %swap3A_290], %broadcast_in_dim3A_288 {strides = array<i32>} : memref<1x8192xf32, #tpu.memory_space<vmem>>, vector<1x1024xf32>,
      %convert_element_type3A_292 = arith.truncf %get3A_284 : vector<64x1024xf32> to vector<64x1024xbf16>
      %swap3A_293 = arith.constant 0 : index
      %swap3A_294 = arith.constant 2048 : index
      %swap3A_295 = vector.load %arg8[%swap3A_293, %swap3A_294] : memref<64x8192xbf16, #tpu.memory_space<vmem>>, vector<64x1024xbf16>
      tpu.vector_store %arg8[%swap3A_293, %swap3A_294], %convert_element_type3A_292 {strides = array<i32>} : memref<64x8192xbf16, #tpu.memory_space<vmem>>, vector<64x1024xbf16>,
      %get3A_296 = arith.constant 0 : index
      %get3A_297 = arith.constant 3072 : index
      %get3A_298 = vector.load %arg2[%get3A_296, %get3A_297] : memref<64x8192xf32, #tpu.memory_space<vmem>>, vector<64x1024xf32>
      %mul3A_299 = arith.mulf %get3A_298, %get3A_298 : vector<64x1024xf32>
      %reduce_sum3A_300 = arith.constant dense<0.000000e+00> : vector<1024xf32>
      %reduce_sum3A_301 = vector.multi_reduction <add>, %mul3A_299, %reduce_sum3A_300 [0] : vector<64x1024xf32> to vector<1024xf32>
      %broadcast_in_dim3A_302 = vector.shape_cast %reduce_sum3A_301 : vector<1024xf32> to vector<1x1024xf32>
      %swap3A_303 = arith.constant 0 : index
      %swap3A_304 = arith.constant 3072 : index
      %swap3A_305 = vector.load %arg7[%swap3A_303, %swap3A_304] : memref<1x8192xf32, #tpu.memory_space<vmem>>, vector<1x1024xf32>
      tpu.vector_store %arg7[%swap3A_303, %swap3A_304], %broadcast_in_dim3A_302 {strides = array<i32>} : memref<1x8192xf32, #tpu.memory_space<vmem>>, vector<1x1024xf32>,
      %convert_element_type3A_306 = arith.truncf %get3A_298 : vector<64x1024xf32> to vector<64x1024xbf16>
      %swap3A_307 = arith.constant 0 : index
      %swap3A_308 = arith.constant 3072 : index
      %swap3A_309 = vector.load %arg8[%swap3A_307, %swap3A_308] : memref<64x8192xbf16, #tpu.memory_space<vmem>>, vector<64x1024xbf16>
      tpu.vector_store %arg8[%swap3A_307, %swap3A_308], %convert_element_type3A_306 {strides = array<i32>} : memref<64x8192xbf16, #tpu.memory_space<vmem>>, vector<64x1024xbf16>,
      %get3A_310 = arith.constant 0 : index
      %get3A_311 = arith.constant 4096 : index
      %get3A_312 = vector.load %arg2[%get3A_310, %get3A_311] : memref<64x8192xf32, #tpu.memory_space<vmem>>, vector<64x1024xf32>
      %mul3A_313 = arith.mulf %get3A_312, %get3A_312 : vector<64x1024xf32>
      %reduce_sum3A_314 = arith.constant dense<0.000000e+00> : vector<1024xf32>
      %reduce_sum3A_315 = vector.multi_reduction <add>, %mul3A_313, %reduce_sum3A_314 [0] : vector<64x1024xf32> to vector<1024xf32>
      %broadcast_in_dim3A_316 = vector.shape_cast %reduce_sum3A_315 : vector<1024xf32> to vector<1x1024xf32>
      %swap3A_317 = arith.constant 0 : index
      %swap3A_318 = arith.constant 4096 : index
      %swap3A_319 = vector.load %arg7[%swap3A_317, %swap3A_318] : memref<1x8192xf32, #tpu.memory_space<vmem>>, vector<1x1024xf32>
      tpu.vector_store %arg7[%swap3A_317, %swap3A_318], %broadcast_in_dim3A_316 {strides = array<i32>} : memref<1x8192xf32, #tpu.memory_space<vmem>>, vector<1x1024xf32>,
      %convert_element_type3A_320 = arith.truncf %get3A_312 : vector<64x1024xf32> to vector<64x1024xbf16>
      %swap3A_321 = arith.constant 0 : index
      %swap3A_322 = arith.constant 4096 : index
      %swap3A_323 = vector.load %arg8[%swap3A_321, %swap3A_322] : memref<64x8192xbf16, #tpu.memory_space<vmem>>, vector<64x1024xbf16>
      tpu.vector_store %arg8[%swap3A_321, %swap3A_322], %convert_element_type3A_320 {strides = array<i32>} : memref<64x8192xbf16, #tpu.memory_space<vmem>>, vector<64x1024xbf16>,
      %get3A_324 = arith.constant 0 : index
      %get3A_325 = arith.constant 5120 : index
      %get3A_326 = vector.load %arg2[%get3A_324, %get3A_325] : memref<64x8192xf32, #tpu.memory_space<vmem>>, vector<64x1024xf32>
      %mul3A_327 = arith.mulf %get3A_326, %get3A_326 : vector<64x1024xf32>
      %reduce_sum3A_328 = arith.constant dense<0.000000e+00> : vector<1024xf32>
      %reduce_sum3A_329 = vector.multi_reduction <add>, %mul3A_327, %reduce_sum3A_328 [0] : vector<64x1024xf32> to vector<1024xf32>
      %broadcast_in_dim3A_330 = vector.shape_cast %reduce_sum3A_329 : vector<1024xf32> to vector<1x1024xf32>
      %swap3A_331 = arith.constant 0 : index
      %swap3A_332 = arith.constant 5120 : index
      %swap3A_333 = vector.load %arg7[%swap3A_331, %swap3A_332] : memref<1x8192xf32, #tpu.memory_space<vmem>>, vector<1x1024xf32>
      tpu.vector_store %arg7[%swap3A_331, %swap3A_332], %broadcast_in_dim3A_330 {strides = array<i32>} : memref<1x8192xf32, #tpu.memory_space<vmem>>, vector<1x1024xf32>,
      %convert_element_type3A_334 = arith.truncf %get3A_326 : vector<64x1024xf32> to vector<64x1024xbf16>
      %swap3A_335 = arith.constant 0 : index
      %swap3A_336 = arith.constant 5120 : index
      %swap3A_337 = vector.load %arg8[%swap3A_335, %swap3A_336] : memref<64x8192xbf16, #tpu.memory_space<vmem>>, vector<64x1024xbf16>
      tpu.vector_store %arg8[%swap3A_335, %swap3A_336], %convert_element_type3A_334 {strides = array<i32>} : memref<64x8192xbf16, #tpu.memory_space<vmem>>, vector<64x1024xbf16>,
      %get3A_338 = arith.constant 0 : index
      %get3A_339 = arith.constant 6144 : index
      %get3A_340 = vector.load %arg2[%get3A_338, %get3A_339] : memref<64x8192xf32, #tpu.memory_space<vmem>>, vector<64x1024xf32>
      %mul3A_341 = arith.mulf %get3A_340, %get3A_340 : vector<64x1024xf32>
      %reduce_sum3A_342 = arith.constant dense<0.000000e+00> : vector<1024xf32>
      %reduce_sum3A_343 = vector.multi_reduction <add>, %mul3A_341, %reduce_sum3A_342 [0] : vector<64x1024xf32> to vector<1024xf32>
      %broadcast_in_dim3A_344 = vector.shape_cast %reduce_sum3A_343 : vector<1024xf32> to vector<1x1024xf32>
      %swap3A_345 = arith.constant 0 : index
      %swap3A_346 = arith.constant 6144 : index
      %swap3A_347 = vector.load %arg7[%swap3A_345, %swap3A_346] : memref<1x8192xf32, #tpu.memory_space<vmem>>, vector<1x1024xf32>
      tpu.vector_store %arg7[%swap3A_345, %swap3A_346], %broadcast_in_dim3A_344 {strides = array<i32>} : memref<1x8192xf32, #tpu.memory_space<vmem>>, vector<1x1024xf32>,
      %convert_element_type3A_348 = arith.truncf %get3A_340 : vector<64x1024xf32> to vector<64x1024xbf16>
      %swap3A_349 = arith.constant 0 : index
      %swap3A_350 = arith.constant 6144 : index
      %swap3A_351 = vector.load %arg8[%swap3A_349, %swap3A_350] : memref<64x8192xbf16, #tpu.memory_space<vmem>>, vector<64x1024xbf16>
      tpu.vector_store %arg8[%swap3A_349, %swap3A_350], %convert_element_type3A_348 {strides = array<i32>} : memref<64x8192xbf16, #tpu.memory_space<vmem>>, vector<64x1024xbf16>,
      %get3A_352 = arith.constant 0 : index
      %get3A_353 = arith.constant 7168 : index
      %get3A_354 = vector.load %arg2[%get3A_352, %get3A_353] : memref<64x8192xf32, #tpu.memory_space<vmem>>, vector<64x1024xf32>
      %mul3A_355 = arith.mulf %get3A_354, %get3A_354 : vector<64x1024xf32>
      %reduce_sum3A_356 = arith.constant dense<0.000000e+00> : vector<1024xf32>
      %reduce_sum3A_357 = vector.multi_reduction <add>, %mul3A_355, %reduce_sum3A_356 [0] : vector<64x1024xf32> to vector<1024xf32>
      %broadcast_in_dim3A_358 = vector.shape_cast %reduce_sum3A_357 : vector<1024xf32> to vector<1x1024xf32>
      %swap3A_359 = arith.constant 0 : index
      %swap3A_360 = arith.constant 7168 : index
      %swap3A_361 = vector.load %arg7[%swap3A_359, %swap3A_360] : memref<1x8192xf32, #tpu.memory_space<vmem>>, vector<1x1024xf32>
      tpu.vector_store %arg7[%swap3A_359, %swap3A_360], %broadcast_in_dim3A_358 {strides = array<i32>} : memref<1x8192xf32, #tpu.memory_space<vmem>>, vector<1x1024xf32>,
      %convert_element_type3A_362 = arith.truncf %get3A_354 : vector<64x1024xf32> to vector<64x1024xbf16>
      %swap3A_363 = arith.constant 0 : index
      %swap3A_364 = arith.constant 7168 : index
      %swap3A_365 = vector.load %arg8[%swap3A_363, %swap3A_364] : memref<64x8192xbf16, #tpu.memory_space<vmem>>, vector<64x1024xbf16>
      tpu.vector_store %arg8[%swap3A_363, %swap3A_364], %convert_element_type3A_362 {strides = array<i32>} : memref<64x8192xbf16, #tpu.memory_space<vmem>>, vector<64x1024xbf16>,
    } else {
    }
    %get3A = arith.constant 0 : index
    %get3A_2 = arith.constant 0 : index
    %get3A_3 = vector.load %arg1[%get3A, %get3A_2] : memref<1024x64xf32, #tpu.memory_space<vmem>>, vector<1024x64xf32>
    %convert_element_type3A_4 = arith.truncf %get3A_3 : vector<1024x64xf32> to vector<1024x64xbf16>
    %get3A_5 = arith.constant 0 : index
    %get3A_6 = arith.constant 0 : index
    %get3A_7 = vector.load %arg3[%get3A_5, %get3A_6] : memref<64x64xf32, #tpu.memory_space<vmem>>, vector<64x64xf32>
    %convert_element_type3A_8 = arith.truncf %get3A_7 : vector<64x64xf32> to vector<64x64xbf16>
    %dot_general3A = arith.constant dense<0.000000e+00> : vector<1024x64xf32>
    %dot_general3A_9 = tpu.matmul %convert_element_type3A_4, %convert_element_type3A_8, %dot_general3A {dimension_numbers = #tpu.dot_dimension_numbers<[1], [0], [0], [1], [0, 0, 1, 1], [], []>, transpose_lhs_hint = false} : vector<1024x64xbf16>, vector<64x64xbf16>, vector<1024x64xf32> -> vector<1024x64xf32>
    %get3A_10 = arith.constant 0 : index
    %get3A_11 = arith.constant 0 : index
    %get3A_12 = vector.load %arg4[%get3A_10, %get3A_11] : memref<1x64xf32, #tpu.memory_space<vmem>>, vector<1x64xf32>
    %add3A = vector.broadcast %get3A_12 : vector<1x64xf32> to vector<1024x64xf32>
    %add3A_13 = arith.addf %dot_general3A_9, %add3A : vector<1024x64xf32>
    %mul3A = arith.mulf %add3A_13, %add3A_13 : vector<1024x64xf32>
    %reduce_sum3A = arith.constant dense<0.000000e+00> : vector<1024xf32>
    %reduce_sum3A_14 = vector.multi_reduction <add>, %mul3A, %reduce_sum3A [1] : vector<1024x64xf32> to vector<1024xf32>
    %broadcast_in_dim3A = vector.shape_cast %reduce_sum3A_14 : vector<1024xf32> to vector<1024x1xf32>
    %mul3A_15 = arith.constant -2.000000e+00 : f32
    %mul3A_16 = vector.broadcast %mul3A_15 : f32 to vector<1024x64xf32>
    %mul3A_17 = arith.mulf %mul3A_16, %add3A_13 : vector<1024x64xf32>
    %convert_element_type3A_18 = arith.truncf %mul3A_17 : vector<1024x64xf32> to vector<1024x64xbf16>
    %iota3A = tpu.iota {dimensions = array<i32: 1>} : vector<1x1024xi32>
    %convert_element_type3A_19 = arith.sitofp %iota3A : vector<1x1024xi32> to vector<1x1024xf32>
    %get3A_20 = arith.constant 0 : index
    %get3A_21 = arith.constant 0 : index
    %get3A_22 = vector.load %arg8[%get3A_20, %get3A_21] : memref<64x8192xbf16, #tpu.memory_space<vmem>>, vector<64x1024xbf16>
    %dot_general3A_23 = arith.constant dense<0.000000e+00> : vector<1024x1024xf32>
    %dot_general3A_24 = tpu.matmul %convert_element_type3A_18, %get3A_22, %dot_general3A_23 {dimension_numbers = #tpu.dot_dimension_numbers<[1], [0], [0], [1], [0, 0, 1, 1], [], []>, transpose_lhs_hint = false} : vector<1024x64xbf16>, vector<64x1024xbf16>, vector<1024x1024xf32> -> vector<1024x1024xf32>
    %get3A_25 = arith.constant 0 : index
    %get3A_26 = arith.constant 0 : index
    %get3A_27 = vector.load %arg7[%get3A_25, %get3A_26] : memref<1x8192xf32, #tpu.memory_space<vmem>>, vector<1x1024xf32>
    %add3A_28 = vector.broadcast %get3A_27 : vector<1x1024xf32> to vector<1024x1024xf32>
    %add3A_29 = arith.addf %add3A_28, %dot_general3A_24 : vector<1024x1024xf32>
    %reduce_min3A = arith.constant dense<0x7F800000> : vector<1024xf32>
    %reduce_min3A_30 = vector.multi_reduction <minimumf>, %add3A_29, %reduce_min3A [1] : vector<1024x1024xf32> to vector<1024xf32>
    %broadcast_in_dim3A_31 = vector.shape_cast %reduce_min3A_30 : vector<1024xf32> to vector<1024x1xf32>
    %eq3A_32 = vector.broadcast %broadcast_in_dim3A_31 : vector<1024x1xf32> to vector<1024x1024xf32>
    %eq3A_33 = arith.cmpf oeq, %add3A_29, %eq3A_32 : vector<1024x1024xf32>
    %jit3A = arith.constant 8.192000e+03 : f32
    %broadcast_in_dim3A_34 = vector.shape_cast %convert_element_type3A_19 : vector<1x1024xf32> to vector<1x1024xf32>
    %broadcast_in_dim3A_35 = vector.broadcast %broadcast_in_dim3A_34 : vector<1x1024xf32> to vector<1024x1024xf32>
    %broadcast_in_dim3A_36 = vector.broadcast %jit3A : f32 to vector<1024x1024xf32>
    %select_n3A = arith.select %eq3A_33, %broadcast_in_dim3A_35, %broadcast_in_dim3A_36 : vector<1024x1024xi1>, vector<1024x1024xf32>
    %reduce_min3A_37 = arith.constant dense<0x7F800000> : vector<1024xf32>
    %reduce_min3A_38 = vector.multi_reduction <minimumf>, %select_n3A, %reduce_min3A_37 [1] : vector<1024x1024xf32> to vector<1024xf32>
    %broadcast_in_dim3A_39 = vector.shape_cast %reduce_min3A_38 : vector<1024xf32> to vector<1024x1xf32>
    %add3A_40 = arith.constant 0.000000e+00 : f32
    %add3A_41 = vector.broadcast %add3A_40 : f32 to vector<1024x1xf32>
    %add3A_42 = arith.addf %broadcast_in_dim3A_39, %add3A_41 : vector<1024x1xf32>
    %get3A_43 = arith.constant 0 : index
    %get3A_44 = arith.constant 1024 : index
    %get3A_45 = vector.load %arg8[%get3A_43, %get3A_44] : memref<64x8192xbf16, #tpu.memory_space<vmem>>, vector<64x1024xbf16>
    %dot_general3A_46 = arith.constant dense<0.000000e+00> : vector<1024x1024xf32>
    %dot_general3A_47 = tpu.matmul %convert_element_type3A_18, %get3A_45, %dot_general3A_46 {dimension_numbers = #tpu.dot_dimension_numbers<[1], [0], [0], [1], [0, 0, 1, 1], [], []>, transpose_lhs_hint = false} : vector<1024x64xbf16>, vector<64x1024xbf16>, vector<1024x1024xf32> -> vector<1024x1024xf32>
    %get3A_48 = arith.constant 0 : index
    %get3A_49 = arith.constant 1024 : index
    %get3A_50 = vector.load %arg7[%get3A_48, %get3A_49] : memref<1x8192xf32, #tpu.memory_space<vmem>>, vector<1x1024xf32>
    %add3A_51 = vector.broadcast %get3A_50 : vector<1x1024xf32> to vector<1024x1024xf32>
    %add3A_52 = arith.addf %add3A_51, %dot_general3A_47 : vector<1024x1024xf32>
    %reduce_min3A_53 = arith.constant dense<0x7F800000> : vector<1024xf32>
    %reduce_min3A_54 = vector.multi_reduction <minimumf>, %add3A_52, %reduce_min3A_53 [1] : vector<1024x1024xf32> to vector<1024xf32>
    %broadcast_in_dim3A_55 = vector.shape_cast %reduce_min3A_54 : vector<1024xf32> to vector<1024x1xf32>
    %eq3A_56 = vector.broadcast %broadcast_in_dim3A_55 : vector<1024x1xf32> to vector<1024x1024xf32>
    %eq3A_57 = arith.cmpf oeq, %add3A_52, %eq3A_56 : vector<1024x1024xf32>
    %jit3A_58 = arith.constant 8.192000e+03 : f32
    %broadcast_in_dim3A_59 = vector.shape_cast %convert_element_type3A_19 : vector<1x1024xf32> to vector<1x1024xf32>
    %broadcast_in_dim3A_60 = vector.broadcast %broadcast_in_dim3A_59 : vector<1x1024xf32> to vector<1024x1024xf32>
    %broadcast_in_dim3A_61 = vector.broadcast %jit3A_58 : f32 to vector<1024x1024xf32>
    %select_n3A_62 = arith.select %eq3A_57, %broadcast_in_dim3A_60, %broadcast_in_dim3A_61 : vector<1024x1024xi1>, vector<1024x1024xf32>
    %reduce_min3A_63 = arith.constant dense<0x7F800000> : vector<1024xf32>
    %reduce_min3A_64 = vector.multi_reduction <minimumf>, %select_n3A_62, %reduce_min3A_63 [1] : vector<1024x1024xf32> to vector<1024xf32>
    %broadcast_in_dim3A_65 = vector.shape_cast %reduce_min3A_64 : vector<1024xf32> to vector<1024x1xf32>
    %add3A_66 = arith.constant 1.024000e+03 : f32
    %add3A_67 = vector.broadcast %add3A_66 : f32 to vector<1024x1xf32>
    %add3A_68 = arith.addf %broadcast_in_dim3A_65, %add3A_67 : vector<1024x1xf32>
    %lt3A = arith.cmpf olt, %broadcast_in_dim3A_55, %broadcast_in_dim3A_31 : vector<1024x1xf32>
    %select_n3A_69 = arith.select %lt3A, %add3A_68, %add3A_42 : vector<1024x1xi1>, vector<1024x1xf32>
    %select_n3A_70 = arith.select %lt3A, %broadcast_in_dim3A_55, %broadcast_in_dim3A_31 : vector<1024x1xi1>, vector<1024x1xf32>
    %get3A_71 = arith.constant 0 : index
    %get3A_72 = arith.constant 2048 : index
    %get3A_73 = vector.load %arg8[%get3A_71, %get3A_72] : memref<64x8192xbf16, #tpu.memory_space<vmem>>, vector<64x1024xbf16>
    %dot_general3A_74 = arith.constant dense<0.000000e+00> : vector<1024x1024xf32>
    %dot_general3A_75 = tpu.matmul %convert_element_type3A_18, %get3A_73, %dot_general3A_74 {dimension_numbers = #tpu.dot_dimension_numbers<[1], [0], [0], [1], [0, 0, 1, 1], [], []>, transpose_lhs_hint = false} : vector<1024x64xbf16>, vector<64x1024xbf16>, vector<1024x1024xf32> -> vector<1024x1024xf32>
    %get3A_76 = arith.constant 0 : index
    %get3A_77 = arith.constant 2048 : index
    %get3A_78 = vector.load %arg7[%get3A_76, %get3A_77] : memref<1x8192xf32, #tpu.memory_space<vmem>>, vector<1x1024xf32>
    %add3A_79 = vector.broadcast %get3A_78 : vector<1x1024xf32> to vector<1024x1024xf32>
    %add3A_80 = arith.addf %add3A_79, %dot_general3A_75 : vector<1024x1024xf32>
    %reduce_min3A_81 = arith.constant dense<0x7F800000> : vector<1024xf32>
    %reduce_min3A_82 = vector.multi_reduction <minimumf>, %add3A_80, %reduce_min3A_81 [1] : vector<1024x1024xf32> to vector<1024xf32>
    %broadcast_in_dim3A_83 = vector.shape_cast %reduce_min3A_82 : vector<1024xf32> to vector<1024x1xf32>
    %eq3A_84 = vector.broadcast %broadcast_in_dim3A_83 : vector<1024x1xf32> to vector<1024x1024xf32>
    %eq3A_85 = arith.cmpf oeq, %add3A_80, %eq3A_84 : vector<1024x1024xf32>
    %jit3A_86 = arith.constant 8.192000e+03 : f32
    %broadcast_in_dim3A_87 = vector.shape_cast %convert_element_type3A_19 : vector<1x1024xf32> to vector<1x1024xf32>
    %broadcast_in_dim3A_88 = vector.broadcast %broadcast_in_dim3A_87 : vector<1x1024xf32> to vector<1024x1024xf32>
    %broadcast_in_dim3A_89 = vector.broadcast %jit3A_86 : f32 to vector<1024x1024xf32>
    %select_n3A_90 = arith.select %eq3A_85, %broadcast_in_dim3A_88, %broadcast_in_dim3A_89 : vector<1024x1024xi1>, vector<1024x1024xf32>
    %reduce_min3A_91 = arith.constant dense<0x7F800000> : vector<1024xf32>
    %reduce_min3A_92 = vector.multi_reduction <minimumf>, %select_n3A_90, %reduce_min3A_91 [1] : vector<1024x1024xf32> to vector<1024xf32>
    %broadcast_in_dim3A_93 = vector.shape_cast %reduce_min3A_92 : vector<1024xf32> to vector<1024x1xf32>
    %add3A_94 = arith.constant 2.048000e+03 : f32
    %add3A_95 = vector.broadcast %add3A_94 : f32 to vector<1024x1xf32>
    %add3A_96 = arith.addf %broadcast_in_dim3A_93, %add3A_95 : vector<1024x1xf32>
    %lt3A_97 = arith.cmpf olt, %broadcast_in_dim3A_83, %select_n3A_70 : vector<1024x1xf32>
    %select_n3A_98 = arith.select %lt3A_97, %add3A_96, %select_n3A_69 : vector<1024x1xi1>, vector<1024x1xf32>
    %select_n3A_99 = arith.select %lt3A_97, %broadcast_in_dim3A_83, %select_n3A_70 : vector<1024x1xi1>, vector<1024x1xf32>
    %get3A_100 = arith.constant 0 : index
    %get3A_101 = arith.constant 3072 : index
    %get3A_102 = vector.load %arg8[%get3A_100, %get3A_101] : memref<64x8192xbf16, #tpu.memory_space<vmem>>, vector<64x1024xbf16>
    %dot_general3A_103 = arith.constant dense<0.000000e+00> : vector<1024x1024xf32>
    %dot_general3A_104 = tpu.matmul %convert_element_type3A_18, %get3A_102, %dot_general3A_103 {dimension_numbers = #tpu.dot_dimension_numbers<[1], [0], [0], [1], [0, 0, 1, 1], [], []>, transpose_lhs_hint = false} : vector<1024x64xbf16>, vector<64x1024xbf16>, vector<1024x1024xf32> -> vector<1024x1024xf32>
    %get3A_105 = arith.constant 0 : index
    %get3A_106 = arith.constant 3072 : index
    %get3A_107 = vector.load %arg7[%get3A_105, %get3A_106] : memref<1x8192xf32, #tpu.memory_space<vmem>>, vector<1x1024xf32>
    %add3A_108 = vector.broadcast %get3A_107 : vector<1x1024xf32> to vector<1024x1024xf32>
    %add3A_109 = arith.addf %add3A_108, %dot_general3A_104 : vector<1024x1024xf32>
    %reduce_min3A_110 = arith.constant dense<0x7F800000> : vector<1024xf32>
    %reduce_min3A_111 = vector.multi_reduction <minimumf>, %add3A_109, %reduce_min3A_110 [1] : vector<1024x1024xf32> to vector<1024xf32>
    %broadcast_in_dim3A_112 = vector.shape_cast %reduce_min3A_111 : vector<1024xf32> to vector<1024x1xf32>
    %eq3A_113 = vector.broadcast %broadcast_in_dim3A_112 : vector<1024x1xf32> to vector<1024x1024xf32>
    %eq3A_114 = arith.cmpf oeq, %add3A_109, %eq3A_113 : vector<1024x1024xf32>
    %jit3A_115 = arith.constant 8.192000e+03 : f32
    %broadcast_in_dim3A_116 = vector.shape_cast %convert_element_type3A_19 : vector<1x1024xf32> to vector<1x1024xf32>
    %broadcast_in_dim3A_117 = vector.broadcast %broadcast_in_dim3A_116 : vector<1x1024xf32> to vector<1024x1024xf32>
    %broadcast_in_dim3A_118 = vector.broadcast %jit3A_115 : f32 to vector<1024x1024xf32>
    %select_n3A_119 = arith.select %eq3A_114, %broadcast_in_dim3A_117, %broadcast_in_dim3A_118 : vector<1024x1024xi1>, vector<1024x1024xf32>
    %reduce_min3A_120 = arith.constant dense<0x7F800000> : vector<1024xf32>
    %reduce_min3A_121 = vector.multi_reduction <minimumf>, %select_n3A_119, %reduce_min3A_120 [1] : vector<1024x1024xf32> to vector<1024xf32>
    %broadcast_in_dim3A_122 = vector.shape_cast %reduce_min3A_121 : vector<1024xf32> to vector<1024x1xf32>
    %add3A_123 = arith.constant 3.072000e+03 : f32
    %add3A_124 = vector.broadcast %add3A_123 : f32 to vector<1024x1xf32>
    %add3A_125 = arith.addf %broadcast_in_dim3A_122, %add3A_124 : vector<1024x1xf32>
    %lt3A_126 = arith.cmpf olt, %broadcast_in_dim3A_112, %select_n3A_99 : vector<1024x1xf32>
    %select_n3A_127 = arith.select %lt3A_126, %add3A_125, %select_n3A_98 : vector<1024x1xi1>, vector<1024x1xf32>
    %select_n3A_128 = arith.select %lt3A_126, %broadcast_in_dim3A_112, %select_n3A_99 : vector<1024x1xi1>, vector<1024x1xf32>
    %get3A_129 = arith.constant 0 : index
    %get3A_130 = arith.constant 4096 : index
    %get3A_131 = vector.load %arg8[%get3A_129, %get3A_130] : memref<64x8192xbf16, #tpu.memory_space<vmem>>, vector<64x1024xbf16>
    %dot_general3A_132 = arith.constant dense<0.000000e+00> : vector<1024x1024xf32>
    %dot_general3A_133 = tpu.matmul %convert_element_type3A_18, %get3A_131, %dot_general3A_132 {dimension_numbers = #tpu.dot_dimension_numbers<[1], [0], [0], [1], [0, 0, 1, 1], [], []>, transpose_lhs_hint = false} : vector<1024x64xbf16>, vector<64x1024xbf16>, vector<1024x1024xf32> -> vector<1024x1024xf32>
    %get3A_134 = arith.constant 0 : index
    %get3A_135 = arith.constant 4096 : index
    %get3A_136 = vector.load %arg7[%get3A_134, %get3A_135] : memref<1x8192xf32, #tpu.memory_space<vmem>>, vector<1x1024xf32>
    %add3A_137 = vector.broadcast %get3A_136 : vector<1x1024xf32> to vector<1024x1024xf32>
    %add3A_138 = arith.addf %add3A_137, %dot_general3A_133 : vector<1024x1024xf32>
    %reduce_min3A_139 = arith.constant dense<0x7F800000> : vector<1024xf32>
    %reduce_min3A_140 = vector.multi_reduction <minimumf>, %add3A_138, %reduce_min3A_139 [1] : vector<1024x1024xf32> to vector<1024xf32>
    %broadcast_in_dim3A_141 = vector.shape_cast %reduce_min3A_140 : vector<1024xf32> to vector<1024x1xf32>
    %eq3A_142 = vector.broadcast %broadcast_in_dim3A_141 : vector<1024x1xf32> to vector<1024x1024xf32>
    %eq3A_143 = arith.cmpf oeq, %add3A_138, %eq3A_142 : vector<1024x1024xf32>
    %jit3A_144 = arith.constant 8.192000e+03 : f32
    %broadcast_in_dim3A_145 = vector.shape_cast %convert_element_type3A_19 : vector<1x1024xf32> to vector<1x1024xf32>
    %broadcast_in_dim3A_146 = vector.broadcast %broadcast_in_dim3A_145 : vector<1x1024xf32> to vector<1024x1024xf32>
    %broadcast_in_dim3A_147 = vector.broadcast %jit3A_144 : f32 to vector<1024x1024xf32>
    %select_n3A_148 = arith.select %eq3A_143, %broadcast_in_dim3A_146, %broadcast_in_dim3A_147 : vector<1024x1024xi1>, vector<1024x1024xf32>
    %reduce_min3A_149 = arith.constant dense<0x7F800000> : vector<1024xf32>
    %reduce_min3A_150 = vector.multi_reduction <minimumf>, %select_n3A_148, %reduce_min3A_149 [1] : vector<1024x1024xf32> to vector<1024xf32>
    %broadcast_in_dim3A_151 = vector.shape_cast %reduce_min3A_150 : vector<1024xf32> to vector<1024x1xf32>
    %add3A_152 = arith.constant 4.096000e+03 : f32
    %add3A_153 = vector.broadcast %add3A_152 : f32 to vector<1024x1xf32>
    %add3A_154 = arith.addf %broadcast_in_dim3A_151, %add3A_153 : vector<1024x1xf32>
    %lt3A_155 = arith.cmpf olt, %broadcast_in_dim3A_141, %select_n3A_128 : vector<1024x1xf32>
    %select_n3A_156 = arith.select %lt3A_155, %add3A_154, %select_n3A_127 : vector<1024x1xi1>, vector<1024x1xf32>
    %select_n3A_157 = arith.select %lt3A_155, %broadcast_in_dim3A_141, %select_n3A_128 : vector<1024x1xi1>, vector<1024x1xf32>
    %get3A_158 = arith.constant 0 : index
    %get3A_159 = arith.constant 5120 : index
    %get3A_160 = vector.load %arg8[%get3A_158, %get3A_159] : memref<64x8192xbf16, #tpu.memory_space<vmem>>, vector<64x1024xbf16>
    %dot_general3A_161 = arith.constant dense<0.000000e+00> : vector<1024x1024xf32>
    %dot_general3A_162 = tpu.matmul %convert_element_type3A_18, %get3A_160, %dot_general3A_161 {dimension_numbers = #tpu.dot_dimension_numbers<[1], [0], [0], [1], [0, 0, 1, 1], [], []>, transpose_lhs_hint = false} : vector<1024x64xbf16>, vector<64x1024xbf16>, vector<1024x1024xf32> -> vector<1024x1024xf32>
    %get3A_163 = arith.constant 0 : index
    %get3A_164 = arith.constant 5120 : index
    %get3A_165 = vector.load %arg7[%get3A_163, %get3A_164] : memref<1x8192xf32, #tpu.memory_space<vmem>>, vector<1x1024xf32>
    %add3A_166 = vector.broadcast %get3A_165 : vector<1x1024xf32> to vector<1024x1024xf32>
    %add3A_167 = arith.addf %add3A_166, %dot_general3A_162 : vector<1024x1024xf32>
    %reduce_min3A_168 = arith.constant dense<0x7F800000> : vector<1024xf32>
    %reduce_min3A_169 = vector.multi_reduction <minimumf>, %add3A_167, %reduce_min3A_168 [1] : vector<1024x1024xf32> to vector<1024xf32>
    %broadcast_in_dim3A_170 = vector.shape_cast %reduce_min3A_169 : vector<1024xf32> to vector<1024x1xf32>
    %eq3A_171 = vector.broadcast %broadcast_in_dim3A_170 : vector<1024x1xf32> to vector<1024x1024xf32>
    %eq3A_172 = arith.cmpf oeq, %add3A_167, %eq3A_171 : vector<1024x1024xf32>
    %jit3A_173 = arith.constant 8.192000e+03 : f32
    %broadcast_in_dim3A_174 = vector.shape_cast %convert_element_type3A_19 : vector<1x1024xf32> to vector<1x1024xf32>
    %broadcast_in_dim3A_175 = vector.broadcast %broadcast_in_dim3A_174 : vector<1x1024xf32> to vector<1024x1024xf32>
    %broadcast_in_dim3A_176 = vector.broadcast %jit3A_173 : f32 to vector<1024x1024xf32>
    %select_n3A_177 = arith.select %eq3A_172, %broadcast_in_dim3A_175, %broadcast_in_dim3A_176 : vector<1024x1024xi1>, vector<1024x1024xf32>
    %reduce_min3A_178 = arith.constant dense<0x7F800000> : vector<1024xf32>
    %reduce_min3A_179 = vector.multi_reduction <minimumf>, %select_n3A_177, %reduce_min3A_178 [1] : vector<1024x1024xf32> to vector<1024xf32>
    %broadcast_in_dim3A_180 = vector.shape_cast %reduce_min3A_179 : vector<1024xf32> to vector<1024x1xf32>
    %add3A_181 = arith.constant 5.120000e+03 : f32
    %add3A_182 = vector.broadcast %add3A_181 : f32 to vector<1024x1xf32>
    %add3A_183 = arith.addf %broadcast_in_dim3A_180, %add3A_182 : vector<1024x1xf32>
    %lt3A_184 = arith.cmpf olt, %broadcast_in_dim3A_170, %select_n3A_157 : vector<1024x1xf32>
    %select_n3A_185 = arith.select %lt3A_184, %add3A_183, %select_n3A_156 : vector<1024x1xi1>, vector<1024x1xf32>
    %select_n3A_186 = arith.select %lt3A_184, %broadcast_in_dim3A_170, %select_n3A_157 : vector<1024x1xi1>, vector<1024x1xf32>
    %get3A_187 = arith.constant 0 : index
    %get3A_188 = arith.constant 6144 : index
    %get3A_189 = vector.load %arg8[%get3A_187, %get3A_188] : memref<64x8192xbf16, #tpu.memory_space<vmem>>, vector<64x1024xbf16>
    %dot_general3A_190 = arith.constant dense<0.000000e+00> : vector<1024x1024xf32>
    %dot_general3A_191 = tpu.matmul %convert_element_type3A_18, %get3A_189, %dot_general3A_190 {dimension_numbers = #tpu.dot_dimension_numbers<[1], [0], [0], [1], [0, 0, 1, 1], [], []>, transpose_lhs_hint = false} : vector<1024x64xbf16>, vector<64x1024xbf16>, vector<1024x1024xf32> -> vector<1024x1024xf32>
    %get3A_192 = arith.constant 0 : index
    %get3A_193 = arith.constant 6144 : index
    %get3A_194 = vector.load %arg7[%get3A_192, %get3A_193] : memref<1x8192xf32, #tpu.memory_space<vmem>>, vector<1x1024xf32>
    %add3A_195 = vector.broadcast %get3A_194 : vector<1x1024xf32> to vector<1024x1024xf32>
    %add3A_196 = arith.addf %add3A_195, %dot_general3A_191 : vector<1024x1024xf32>
    %reduce_min3A_197 = arith.constant dense<0x7F800000> : vector<1024xf32>
    %reduce_min3A_198 = vector.multi_reduction <minimumf>, %add3A_196, %reduce_min3A_197 [1] : vector<1024x1024xf32> to vector<1024xf32>
    %broadcast_in_dim3A_199 = vector.shape_cast %reduce_min3A_198 : vector<1024xf32> to vector<1024x1xf32>
    %eq3A_200 = vector.broadcast %broadcast_in_dim3A_199 : vector<1024x1xf32> to vector<1024x1024xf32>
    %eq3A_201 = arith.cmpf oeq, %add3A_196, %eq3A_200 : vector<1024x1024xf32>
    %jit3A_202 = arith.constant 8.192000e+03 : f32
    %broadcast_in_dim3A_203 = vector.shape_cast %convert_element_type3A_19 : vector<1x1024xf32> to vector<1x1024xf32>
    %broadcast_in_dim3A_204 = vector.broadcast %broadcast_in_dim3A_203 : vector<1x1024xf32> to vector<1024x1024xf32>
    %broadcast_in_dim3A_205 = vector.broadcast %jit3A_202 : f32 to vector<1024x1024xf32>
    %select_n3A_206 = arith.select %eq3A_201, %broadcast_in_dim3A_204, %broadcast_in_dim3A_205 : vector<1024x1024xi1>, vector<1024x1024xf32>
    %reduce_min3A_207 = arith.constant dense<0x7F800000> : vector<1024xf32>
    %reduce_min3A_208 = vector.multi_reduction <minimumf>, %select_n3A_206, %reduce_min3A_207 [1] : vector<1024x1024xf32> to vector<1024xf32>
    %broadcast_in_dim3A_209 = vector.shape_cast %reduce_min3A_208 : vector<1024xf32> to vector<1024x1xf32>
    %add3A_210 = arith.constant 6.144000e+03 : f32
    %add3A_211 = vector.broadcast %add3A_210 : f32 to vector<1024x1xf32>
    %add3A_212 = arith.addf %broadcast_in_dim3A_209, %add3A_211 : vector<1024x1xf32>
    %lt3A_213 = arith.cmpf olt, %broadcast_in_dim3A_199, %select_n3A_186 : vector<1024x1xf32>
    %select_n3A_214 = arith.select %lt3A_213, %add3A_212, %select_n3A_185 : vector<1024x1xi1>, vector<1024x1xf32>
    %select_n3A_215 = arith.select %lt3A_213, %broadcast_in_dim3A_199, %select_n3A_186 : vector<1024x1xi1>, vector<1024x1xf32>
    %get3A_216 = arith.constant 0 : index
    %get3A_217 = arith.constant 7168 : index
    %get3A_218 = vector.load %arg8[%get3A_216, %get3A_217] : memref<64x8192xbf16, #tpu.memory_space<vmem>>, vector<64x1024xbf16>
    %dot_general3A_219 = arith.constant dense<0.000000e+00> : vector<1024x1024xf32>
    %dot_general3A_220 = tpu.matmul %convert_element_type3A_18, %get3A_218, %dot_general3A_219 {dimension_numbers = #tpu.dot_dimension_numbers<[1], [0], [0], [1], [0, 0, 1, 1], [], []>, transpose_lhs_hint = false} : vector<1024x64xbf16>, vector<64x1024xbf16>, vector<1024x1024xf32> -> vector<1024x1024xf32>
    %get3A_221 = arith.constant 0 : index
    %get3A_222 = arith.constant 7168 : index
    %get3A_223 = vector.load %arg7[%get3A_221, %get3A_222] : memref<1x8192xf32, #tpu.memory_space<vmem>>, vector<1x1024xf32>
    %add3A_224 = vector.broadcast %get3A_223 : vector<1x1024xf32> to vector<1024x1024xf32>
    %add3A_225 = arith.addf %add3A_224, %dot_general3A_220 : vector<1024x1024xf32>
    %reduce_min3A_226 = arith.constant dense<0x7F800000> : vector<1024xf32>
    %reduce_min3A_227 = vector.multi_reduction <minimumf>, %add3A_225, %reduce_min3A_226 [1] : vector<1024x1024xf32> to vector<1024xf32>
    %broadcast_in_dim3A_228 = vector.shape_cast %reduce_min3A_227 : vector<1024xf32> to vector<1024x1xf32>
    %eq3A_229 = vector.broadcast %broadcast_in_dim3A_228 : vector<1024x1xf32> to vector<1024x1024xf32>
    %eq3A_230 = arith.cmpf oeq, %add3A_225, %eq3A_229 : vector<1024x1024xf32>
    %jit3A_231 = arith.constant 8.192000e+03 : f32
    %broadcast_in_dim3A_232 = vector.shape_cast %convert_element_type3A_19 : vector<1x1024xf32> to vector<1x1024xf32>
    %broadcast_in_dim3A_233 = vector.broadcast %broadcast_in_dim3A_232 : vector<1x1024xf32> to vector<1024x1024xf32>
    %broadcast_in_dim3A_234 = vector.broadcast %jit3A_231 : f32 to vector<1024x1024xf32>
    %select_n3A_235 = arith.select %eq3A_230, %broadcast_in_dim3A_233, %broadcast_in_dim3A_234 : vector<1024x1024xi1>, vector<1024x1024xf32>
    %reduce_min3A_236 = arith.constant dense<0x7F800000> : vector<1024xf32>
    %reduce_min3A_237 = vector.multi_reduction <minimumf>, %select_n3A_235, %reduce_min3A_236 [1] : vector<1024x1024xf32> to vector<1024xf32>
    %broadcast_in_dim3A_238 = vector.shape_cast %reduce_min3A_237 : vector<1024xf32> to vector<1024x1xf32>
    %add3A_239 = arith.constant 7.168000e+03 : f32
    %add3A_240 = vector.broadcast %add3A_239 : f32 to vector<1024x1xf32>
    %add3A_241 = arith.addf %broadcast_in_dim3A_238, %add3A_240 : vector<1024x1xf32>
    %lt3A_242 = arith.cmpf olt, %broadcast_in_dim3A_228, %select_n3A_215 : vector<1024x1xf32>
    %select_n3A_243 = arith.select %lt3A_242, %add3A_241, %select_n3A_214 : vector<1024x1xi1>, vector<1024x1xf32>
    %select_n3A_244 = arith.select %lt3A_242, %broadcast_in_dim3A_228, %select_n3A_215 : vector<1024x1xi1>, vector<1024x1xf32>
    %add3A_245 = arith.addf %select_n3A_244, %broadcast_in_dim3A : vector<1024x1xf32>
    %max3A = arith.constant 0.000000e+00 : f32
    %max3A_246 = vector.broadcast %max3A : f32 to vector<1024x1xf32>
    %max3A_247 = arith.maximumf %add3A_245, %max3A_246 : vector<1024x1xf32>
    %sqrt3A = math.sqrt %max3A_247 : vector<1024x1xf32>
    %swap3A = arith.constant 0 : index
    %swap3A_248 = arith.constant 0 : index
    %swap3A_249 = vector.load %arg5[%swap3A, %swap3A_248] : memref<1024x1xf32, #tpu.memory_space<vmem>>, vector<1024x1xf32>
    tpu.vector_store %arg5[%swap3A, %swap3A_248], %sqrt3A {strides = array<i32>} : memref<1024x1xf32, #tpu.memory_space<vmem>>, vector<1024x1xf32>,
    %convert_element_type3A_250 = arith.fptosi %select_n3A_243 : vector<1024x1xf32> to vector<1024x1xi32>
    %swap3A_251 = arith.constant 0 : index
    %swap3A_252 = arith.constant 0 : index
    %swap3A_253 = vector.load %arg6[%swap3A_251, %swap3A_252] : memref<1024x1xi32, #tpu.memory_space<vmem>>, vector<1024x1xi32>
    tpu.vector_store %arg6[%swap3A_251, %swap3A_252], %convert_element_type3A_250 {strides = array<i32>} : memref<1024x1xi32, #tpu.memory_space<vmem>>, vector<1024x1xi32>,
    return
  }
  func.func @transform_0(%arg0: i32) -> (i32, i32) {
    %c0_i32 = arith.constant 0 : i32
    %c0_i32_0 = arith.constant 0 : i32
    return %arg0, %c0_i32 : i32, i32
  }
  func.func @transform_1(%arg0: i32) -> (i32, i32) {
    %c0_i32 = arith.constant 0 : i32
    %c0_i32_0 = arith.constant 0 : i32
    %c0_i32_1 = arith.constant 0 : i32
    return %c0_i32, %c0_i32_0 : i32, i32
  }
  func.func @transform_2(%arg0: i32) -> (i32, i32) {
    %c0_i32 = arith.constant 0 : i32
    %c0_i32_0 = arith.constant 0 : i32
    %c0_i32_1 = arith.constant 0 : i32
    return %c0_i32, %c0_i32_0 : i32, i32
  }
  func.func @transform_3(%arg0: i32) -> (i32, i32) {
    %c0_i32 = arith.constant 0 : i32
    %c0_i32_0 = arith.constant 0 : i32
    %c0_i32_1 = arith.constant 0 : i32
    return %c0_i32, %c0_i32_0 : i32, i32
  }
  func.func @transform_4(%arg0: i32) -> (i32, i32) {
    %c0_i32 = arith.constant 0 : i32
    %c0_i32_0 = arith.constant 0 : i32
    return %arg0, %c0_i32 : i32, i32
  }
  func.func @transform_5(%arg0: i32) -> (i32, i32) {
    %c0_i32 = arith.constant 0 : i32
    %c0_i32_0 = arith.constant 0 : i32
    return %arg0, %c0_i32 : i32, i32
  }
}

</mosaic_0001>

<sc_bundles>
// kernel: kernel.4.cloned.1.call-start
scs
__scs_entry_jumppad:
0x0: {  	(pc) =	sbr.rel $0x88, $3  }
0x1: {  	(tag) =	ssettag $0x0;
	lr =	simm.s32 $0x1  }
0x2: {  	[smem:$0x3F9D] =	sst lr;
	_ =	strace $0xD0000000  }
0x3: {  	_ = 	snop  }
0x4: {  	_ = 	snop  }
0x5: {  	_ = 	snop  }
0x6: {  	_ = 	snop  }
0x7: {  	_ = 	snop  }
__scs_overlays_trampoline_lowered:
0x8: {  	[smem:$0x3FAC] =	sst s0  }
0x9: {  	[smem:$0x3FAD] =	sst s1  }
0xa: {  	[smem:$0x3FAE] =	sst s2  }
0xb: {  	[smem:$0x3FAF] =	sst s3  }
0xc: {  	[smem:$0x3FB0] =	sst s4  }
0xd: {  	[smem:$0x3FB1] =	sst s5  }
0xe: {  	[smem:$0x3FB2] =	sst s6  }
0xf: {  	[smem:$0x3FB3] =	sst s7  }
0x10: {  	[smem:$0x3FB4] =	sst s8  }
0x11: {  	[smem:$0x3FB5] =	sst s9;
	s0 =	simm.s32 @!p0 $0x0  }
0x12: {  	s1 =	sld [smem:$0x3F9B];
	s0 =	simm.s32 @p0 $0x1  }
0x13: {  	[smem:$0x3FB6] =	sst s0;
	s0 =	simm.s32 @!p1 $0x0  }
0x14: {  	s2 =	sld [smem:$0x3F9A];
	s0 =	simm.s32 @p1 $0x1  }
0x15: {  	[smem:$0x3FB7] =	sst s0;
	s0 =	simm.s32 @!p2 $0x0  }
0x16: {  	s3 =	sld [smem:$0x3FDB];
	s0 =	simm.s32 @p2 $0x1  }
0x17: {  	s4 =	simm.s32 $0x1BF5;
	[smem:$0x3FB9] =	sst s0  }
0x18: {  	s0 =	sld [smem:$0x3F9C];
	_ =	swait.ge [sflag:s4], $0x0  }
0x19: {  	s7 =	sld [smem:$0x3F9D]  }
0x1a: {  	s8 =	sadd.s32 $0xFFFFE003, lr  }
0x1b: {  	s9 =	sadd.s32 $0xFFFFFEF7, lr;
	s5 =	simm.s32 $0xFFFFFFFF;
	p2 =	slt.u32 s8, $0xFFFFF086  }
0x1c: {  	p1 =	slt.u32 s9, $0xF7A;
	s5 =	simm.s32 @!p2 $0x0  }
0x1d: {  	s5 =	simm.s32 @p1 $0x1;
	p0 =	seq.s32 s7, s2  }
0x1e: {  	s7 =	smul.u32 @!p0 $0xF7A, s2;
	p2 =	seq.s32 @!p0 s5, $0x0  }
0x1f: {  	s9 =	smul.u32 $0xF7A, s1;
	s8 =	simm.s32 @!p0 $0x1BF5;
	p2 =	por !p2, p0  }
0x20: {  	[sflag:s8] =	ssyncset.s32 @!p0 $0xFFFFF086;
	s6 =	sadd.s32 @!p0 s3, s7;
	s7 =	simm.s32 @!p0 $0x108  }
0x21: {  	s3 =	sadd.s32 s3, s9;
	s6 =	sadd.s32 @!p0 $0x88, s6;
	s7 =	simm.s32 @p2 $0x1082  }
0x22: {  	[simem:s7], [sflag:s8] =	dma.local @!p0 [hbm:s6], $0xF7A  }
0x23: {  	s9 =	sor.u32 $0xD0000000, s2;
	s6 =	simm.s32 $0x108;
	_ =	swait.ge @!p0 [sflag:s8], $0x0  }
0x24: {  	s3 =	sadd.s32 $0x88, s3;
	s6 =	simm.s32 @!p1 $0x1082;
	[sflag:s4] =	ssyncset.s32 $0xFFFFF086  }
0x25: {  	[simem:s6], [sflag:s4] =	dma.local [hbm:s3], $0xF7A  }
0x26: {  	[smem:$0x3F9D] =	sst s1;
	(tag) =	ssettag s2;
	_ =	strace s9  }
0x27: {  	s1 =	sld [smem:$0x3FAD]  }
0x28: {  	s2 =	sld [smem:$0x3FAE]  }
0x29: {  	s4 =	sld [smem:$0x3FB0]  }
0x2a: {  	p0 =	seq.s32 s5, $0x0;
	s5 =	sld [smem:$0x3FB1]  }
0x2b: {  	s6 =	sld [smem:$0x3FB2]  }
0x2c: {  	s7 =	sld [smem:$0x3FB3]  }
0x2d: {  	s3 =	simm.s32 $0x108;
	s8 =	sld [smem:$0x3FB4]  }
0x2e: {  	s3 =	simm.s32 @!p0 $0x1082;
	s9 =	sld [smem:$0x3FB5]  }
0x2f: {  	lr =	sadd.s32 s0, s3;
	s0 =	sld [smem:$0x3FAC]  }
0x30: {  	s3 =	sld [smem:$0x3FAF]  }
0x31: {  	[smem:$0x3FB8] =	sst s10  }
0x32: {  	s10 =	sld [smem:$0x3FB6];
	_ =	sdelay $0x3  }
0x33: {  	p0 =	seq.s32 s10, $0x1;
	s10 =	sld [smem:$0x3FB8];
	_ =	sdelay $0x3  }
0x34: {  	[smem:$0x3FB8] =	sst s10  }
0x35: {  	s10 =	sld [smem:$0x3FB7];
	_ =	sdelay $0x3  }
0x36: {  	p1 =	seq.s32 s10, $0x1;
	s10 =	sld [smem:$0x3FB8];
	_ =	sdelay $0x3  }
0x37: {  	[smem:$0x3FB8] =	sst s10  }
0x38: {  	s10 =	sld [smem:$0x3FB9]  }
0x39: {  	_ = 	snop;
	(pc) =	sbr.ind lr, $3  }
0x3a: {  	_ = 	snop  }
0x3b: {  	_ = 	snop  }
0x3c: {  	p2 =	seq.s32 s10, $0x1;
	s10 =	sld [smem:$0x3FB8]  }
0x3d: {  	_ =	shalt  }
0x3e: {  	_ =	shalt  }
0x3f: {  	_ =	shalt  }
0x40: {  	_ =	shalt  }
0x41: {  	_ =	shalt  }
0x42: {  	_ =	shalt  }
0x43: {  	_ =	shalt  }
0x44: {  	_ =	shalt  }
0x45: {  	_ =	shalt  }
0x46: {  	_ =	shalt  }
0x47: {  	_ =	shalt  }
0x48: {  	_ =	shalt  }
0x49: {  	_ =	shalt  }
0x4a: {  	_ =	shalt  }
0x4b: {  	_ =	shalt  }
0x4c: {  	_ =	shalt  }
0x4d: {  	_ =	shalt  }
0x4e: {  	_ =	shalt  }
0x4f: {  	_ =	shalt  }
0x50: {  	_ =	shalt  }
0x51: {  	_ =	shalt  }
0x52: {  	_ =	shalt  }
0x53: {  	_ =	shalt  }
0x54: {  	_ =	shalt  }
0x55: {  	_ =	shalt  }
0x56: {  	_ =	shalt  }
0x57: {  	_ =	shalt  }
0x58: {  	_ =	shalt  }
0x59: {  	_ =	shalt  }
0x5a: {  	_ =	shalt  }
0x5b: {  	_ =	shalt  }
0x5c: {  	_ =	shalt  }
0x5d: {  	_ =	shalt  }
0x5e: {  	_ =	shalt  }
0x5f: {  	_ =	shalt  }
0x60: {  	_ =	shalt  }
0x61: {  	_ =	shalt  }
0x62: {  	_ =	shalt  }
0x63: {  	_ =	shalt  }
0x64: {  	_ =	shalt  }
0x65: {  	_ =	shalt  }
0x66: {  	_ =	shalt  }
0x67: {  	_ =	shalt  }
0x68: {  	_ =	shalt  }
0x69: {  	_ =	shalt  }
0x6a: {  	_ =	shalt  }
0x6b: {  	_ =	shalt  }
0x6c: {  	_ =	shalt  }
0x6d: {  	_ =	shalt  }
0x6e: {  	_ =	shalt  }
0x6f: {  	_ =	shalt  }
0x70: {  	_ =	shalt  }
0x71: {  	_ =	shalt  }
0x72: {  	_ =	shalt  }
0x73: {  	_ =	shalt  }
0x74: {  	_ =	shalt  }
0x75: {  	_ =	shalt  }
0x76: {  	_ =	shalt  }
0x77: {  	_ =	shalt  }
0x78: {  	_ =	shalt  }
0x79: {  	_ =	shalt  }
0x7a: {  	_ =	shalt  }
0x7b: {  	_ =	shalt  }
0x7c: {  	_ =	shalt  }
0x7d: {  	_ =	shalt  }
0x7e: {  	_ =	shalt  }
0x7f: {  	_ =	shalt  }
0x80: {  	_ =	shalt  }
0x81: {  	_ =	shalt  }
0x82: {  	_ =	shalt  }
0x83: {  	_ =	shalt  }
0x84: {  	_ =	shalt  }
0x85: {  	_ =	shalt  }
0x86: {  	_ =	shalt  }
0x87: {  	_ =	shalt  }
.Lfunc_end0:
.L_simem_size_0:
called_computation_lowered:
.L_overlay_start_0:
0x88: {  	s2 =	sld [smem:$0x3FD9]  }
0x89: {  	s3 =	sld [smem:$0x3FFE];
	_ =	sdelay $0x1  }
0x8a: {  	s1 =	srdreg.scid  }
0x8b: {  	s0 =	sand.u32 $0x1, s1  }
0x8c: {  	s14 =	sshll.u32 s0, $0xA;
	s2 =	sadd.s32 s3, s2  }
0x8d: {  	s2 =	sadd.s32 s2, s14  }
0x8e: {  	[smem:$0x3FC4] =	sst s2  }
0x8f: {  	_ = 	snop  }
0x90: {  	s2 =	sld [smem:$0x3FD0];
	_ =	sdelay $0x2  }
0x91: {  	s15 =	simm.s32 $0xA;
	s4 =	simm.s32 $0x10  }
0x92: {  	[smem:s4], [sflag:s15] =	dma.local [hbm:s2], $0x1  }
0x93: {  	_ =	swait.eq [sflag:s15], $0x1  }
0x94: {  	[sflag:s15] =	ssyncset.done $0x0  }
0x95: {  	s16 =	sld [smem:$0x10];
	[sflag:s15] =	ssyncadd.s32 $0xFFFFFFFF  }
0x96: {  	s17 =	sld [smem:$0x11];
	(tm) =	ssettm $0x1  }
0x97: {  	s18 =	sld [smem:$0x3FFB];
	_ =	sdelay $0x3  }
0x98: {  	_ =	strace s18  }
0x99: {  	s4 =	sld [smem:$0x3FFC];
	_ =	sdelay $0x3  }
0x9a: {  	_ =	strace s4  }
0x9b: {  	s4 =	sld [smem:$0x3FFD];
	_ =	sdelay $0x3  }
0x9c: {  	_ =	strace s4  }
0x9d: {  	_ =	strace $0x8FFFFFFF  }
0x9e: {  	s19 =	sld [smem:$0x3FDB];
	_ =	sdelay $0x1  }
0x9f: {  	s5 =	simm.s32 $_scs_section_size  }
0xa0: {  	s6 =	simm.s32 $_size__tile_overlayer_lowered;
	s7 =	simm.s32 $_tile_overlayer_lowered  }
0xa1: {  	s22 =	simm.s32 $0x1BFF;
	s21 =	sshll.u32 s7, $0x1;
	s4 =	sadd.s32 s5, s19  }
0xa2: {  	s8 =	simm.s32 $0x0;
	s20 =	sshll.u32 s6, $0x1;
	s6 =	sadd.s32 s21, s4  }
0xa3: {  	[timem:s8], [sflag:s22] =	dma.local [hbm:s6], s20  }
0xa4: {  	_ =	swait.ge [sflag:s22], s20  }
0xa5: {  	s5 =	ssub.s32 $0x0, s20;
	[sflag:s22] =	ssyncset.done $0x0  }
0xa6: {  	[sflag:s22] =	ssyncadd.s32 s5;
	_ =	sdelay $0x1  }
0xa7: {  	s23 =	simm.s32 $0x1B8B  }
0xa8: {  	_ =	swait.ge [sflag:s23], $0x1  }
0xa9: {  	[sflag:s23] =	ssyncset.done $0x0  }
0xaa: {  	s25 =	simm.s32 $0x1B8E;
	s24 =	sld [smem:$0x3FFE];
	[sflag:s23] =	ssyncadd.s32 $0xFFFFFFFF  }
0xab: {  	s26 =	simm.s32 $execute0_lowered;
	[smem:$0x3FD2] =	sst s25  }
0xac: {  	s6 =	sshll.u32 s26, $0x1;
	_ =	strace $0x80000046;
	[dreg:$0x1] =	wrdreg $0xFFFFFFFF  }
0xad: {  	s28 =	simm.s32 $_size_execute0_lowered;
	s4 =	sadd.s32 s4, s6;
	[dreg:$0x0] =	wrdreg $0x0  }
0xae: {  	s6 =	sshll.u32 s28, $0x1;
	[dreg:$0x2] =	wrdreg s4  }
0xaf: {  	[dreg:$0x3] =	wrdreg s6  }
0xb0: {  	[dreg:$0x4] =	wrdreg $0xC0  }
0xb1: {  	_ =	task [dreg:s8], $0x5FFFF  }
0xb2: {  	[dreg:$0x1] =	wrdreg $0xFFFFFFFF  }
0xb3: {  	[dreg:$0x0] =	wrdreg $0x60  }
0xb4: {  	[dreg:$0x2] =	wrdreg s24  }
0xb5: {  	[dreg:$0x3] =	wrdreg s17  }
0xb6: {  	[dreg:$0x4] =	wrdreg s16  }
0xb7: {  	[dreg:$0x5] =	wrdreg $0x9  }
0xb8: {  	_ =	task.clear_ibuf [dreg:s8], $0x6FFFF;
	_ =	strace $0x90000046  }
0xb9: {  	s29 =	simm.s32 $0x9;
	_ =	strace $0x80000048  }
0xba: {  	_ =	swait.ge [sflag:s29], $0x1  }
0xbb: {  	[sflag:s29] =	ssyncadd.s32 $0xFFFFFFFF  }
0xbc: {  	_ =	strace $0x90000048  }
0xbd: {  	_ =	sfence  }
0xbe: {  	s30 =	sld [smem:$0x0];
	_ =	sdelay $0x2  }
0xbf: {  	s31 =	sshll.u32 s1, $0xD;
	s1 =	sshrl.u32 s1, $0x2  }
0xc0: {  	s3 =	sand.u32 $0x4000, s31;
	s1 =	sadd.s32 s1, s30  }
0xc1: {  	s0 =	sor.u32 s3, s0;
	s1 =	sshll.u32 s1, $0x11  }
0xc2: {  	s0 =	sor.u32 s1, s0  }
0xc3: {  	s0 =	sadd.s32 $0x8F2B, s0  }
0xc4: {  	[sflag:s0] =	ssyncadd.remote.s32 $0x1  }
0xc5: {  	_ =	sfence.sel $0xFFFF  }
0xc6: {  	[dreg:$0x0] =	wrdreg $0xFFFFFFFF;
	(pc) =	sbr.abs _section_cstart, $3  }
0xc7: {  	[dreg:$0x1] =	wrdreg $0xFFFFFFFF  }
0xc8: {  	_ =	task.clear_ibuf [dreg:s8], $0x2FFFF;
	_ =	strace $0x9FFFFFFF  }
0xc9: {  	(tm) =	ssettm $0x7FFFFFFF  }
tec
execute0_lowered:
.L_overlay_start_1:
0x0: {  	(tag) =	ssettag $0x1  }
0x1: {  	s5 =	rddreg [dreg:$0x0];
	s1 =	srdreg.scid  }
0x2: {  	s3 =	rddreg [dreg:$0x1];
	s0 =	stileid.u32;
	s11 =	sand.u32 $0x1, s1  }
0x3: {  	s8 =	rddreg [dreg:$0x2];
	s4 =	sshll.u32 s0, $0xA;
	s6 =	sshll.u32 s11, $0x9  }
0x4: {  	s2 =	simm.s32 $0x0;
	s1 =	rddreg [dreg:$0x3];
	s6 =	sor.u32 s6, s4  }
0x5: {  	[smem:$0x7FF] =	sst s2;
	s4 =	sshrl.u32 s6, $0x3  }
0x6: {  	_ =	strace $0x80000047;
	s4 =	sadd.s32 s3, s4;
	s3 =	simm.s32 $0x2  }
0x7: {  	[tilespmem:s2], [sflag:$0x2] =	stream.linear.gather [hbm4b:s4+s2], $0x200, $0x38;
	[tilespmem:$0x8200] =	vst v63  }
0x8: {  	_ =	swait.ge [sflag:s3], $0x200  }
0x9: {  	s7 =	simm.s32 $0x1;
	s5 =	sadd.s32 $0x200, s5;
	[sflag:s3] =	ssyncset.done $0x0  }
0xa: {  	s9 =	smul.u32 $0x18, s6;
	s6 =	simm.s32 $0x200;
	[sflag:s3] =	ssyncadd.s32 $0xFFFFFE00  }
0xb: {  	[tilespmem:s6], [sflag:$0x1] =	stream.indirect.gather [hbm4b:s5+s6], $0x40, s2, s6, $0xb8;
	[tilespmem:$0x8200] =	vst v63  }
0xc: {  	_ =	swait.ge [sflag:s7], $0x8000  }
0xd: {  	s10 =	simm.s32 $0xC0;
	s12 =	ssub.s32 $0x2, s11;
	[sflag:s7] =	ssyncset.done $0x0  }
0xe: {  	s8 =	sadd.s32 s8, s9;
	s9 =	simm.s32 $0x40;
	[sflag:s7] =	ssyncadd.s32 $0xFFFF8000  }
0xf: {  	[hbm4b:s8+s9] =	stream.strided.scatter [tilespmem:s6], [sflag:$0x2], $0x8000, s10, s9, $0x38;
	[tilespmem:$0x8200] =	vst v63  }
0x10: {  	s13 =	sshrl.u32 s12, $0x1;
	_ =	swait.ge [sflag:s3], $0x8000  }
0x11: {  	s13 =	ssub.s32 s12, s13;
	[sflag:s3] =	ssyncset.done $0x0  }
0x12: {  	s13 =	smax.u32 s13, $0x1;
	s11 =	sadd.s32 $0x8, s8;
	[sflag:s3] =	ssyncadd.s32 $0xFFFF8000  }
0x13: {  	[hbm4b:s11+s9] =	stream.strided.scatter [tilespmem:s6], [sflag:$0x2], $0x8000, s10, s9, $0x38;
	[tilespmem:$0x8200] =	vst v63  }
0x14: {  	p0 =	sne.s32 s13, $0x1;
	_ =	swait.ge [sflag:s3], $0x8000  }
.Ltmp0:
0x15: {  	[sflag:s3] =	ssyncset.done $0x0;
	(pc) =	sbr.rel @!p0 .LBB2_2-.Ltmp0, $4  }
0x16: {  	s12 =	sadd.s32 $0x10, s8;
	[sflag:s3] =	ssyncadd.s32 $0xFFFF8000  }
0x17: {  	[hbm4b:s12+s9] =	stream.strided.scatter [tilespmem:s6], [sflag:$0x2], $0x8000, s10, s9, $0x38;
	[tilespmem:$0x8200] =	vst v63  }
0x18: {  	_ =	swait.ge [sflag:s3], $0x8000  }
0x19: {  	s13 =	sadd.s32 $0xFFFFFFFF, s13;
	[sflag:s3] =	ssyncset.done $0x0  }
.LBB2_1:
0x1a: {  	p0 =	sne.s32 s13, $0x1;
	s13 =	sadd.s32 $0xFFFFFFFF, s13;
	[sflag:s3] =	ssyncadd.s32 $0xFFFF8000  }
0x1b: {  	[tilespmem:s2], [sflag:$0x2] =	stream.linear.gather [hbm4b:s4+s2], $0x200, $0x38;
	[tilespmem:$0x8200] =	vst v63  }
0x1c: {  	_ =	swait.ge [sflag:s3], $0x200  }
0x1d: {  	[sflag:s3] =	ssyncset.done $0x0  }
0x1e: {  	[sflag:s3] =	ssyncadd.s32 $0xFFFFFE00  }
0x1f: {  	[tilespmem:s6], [sflag:$0x1] =	stream.indirect.gather [hbm4b:s5+s6], $0x40, s2, s6, $0xb8;
	[tilespmem:$0x8200] =	vst v63  }
0x20: {  	_ =	swait.ge [sflag:s7], $0x8000  }
0x21: {  	[sflag:s7] =	ssyncset.done $0x0  }
0x22: {  	[sflag:s7] =	ssyncadd.s32 $0xFFFF8000  }
0x23: {  	[hbm4b:s8+s9] =	stream.strided.scatter [tilespmem:s6], [sflag:$0x2], $0x8000, s10, s9, $0x38;
	[tilespmem:$0x8200] =	vst v63  }
0x24: {  	_ =	swait.ge [sflag:s3], $0x8000  }
0x25: {  	[sflag:s3] =	ssyncset.done $0x0  }
0x26: {  	[sflag:s3] =	ssyncadd.s32 $0xFFFF8000  }
0x27: {  	[hbm4b:s11+s9] =	stream.strided.scatter [tilespmem:s6], [sflag:$0x2], $0x8000, s10, s9, $0x38;
	[tilespmem:$0x8200] =	vst v63  }
0x28: {  	_ =	swait.ge [sflag:s3], $0x8000  }
.Ltmp1:
0x29: {  	[sflag:s3] =	ssyncset.done $0x0;
	(pc) =	sbr.rel @p0 .LBB2_1-.Ltmp1, $4  }
0x2a: {  	[sflag:s3] =	ssyncadd.s32 $0xFFFF8000  }
0x2b: {  	[hbm4b:s12+s9] =	stream.strided.scatter [tilespmem:s6], [sflag:$0x2], $0x8000, s10, s9, $0x38;
	[tilespmem:$0x8200] =	vst v63  }
0x2c: {  	_ =	swait.ge [sflag:s3], $0x8000  }
0x2d: {  	[sflag:s3] =	ssyncset.done $0x0  }
.LBB2_2:
0x2e: {  	[sflag:s3] =	ssyncadd.s32 $0xFFFF8000  }
0x2f: {  	_ =	sfence.sel $0x180000  }
0x30: {  	[bflag:$0x0] =	sbarrier.arrive $0xFFFF  }
0x31: {  	p0 =	sne.s32 s0, $0x0;
	_ =	strace $0x90000047  }
0x32: {  	s0 =	sadd.s32 @!p0 $0x100000, s1;
	[bflag:$0x2] =	sbarrier.arrive $0xFFFF  }
0x33: {  	[sflag:s0] =	ssyncadd.tile.s32 @!p0 $0x1;
	_ =	shalt  }
.Lfunc_end2:
_tile_overlayer_lowered:
.L_overlay_start_2:
0x34: {  	(tag) =	ssettag $0x2  }
0x35: {  	s0 =	rddreg [dreg:$0x0];
	s2 =	stileid.u32  }
0x36: {  	s1 =	rddreg [dreg:$0x1];
	p0 =	sne.s32 s2, $0x0  }
0x37: {  	s3 =	rddreg [dreg:$0x2];
	[bflag:$0x3] =	sbarrier.arrive $0xFFFF;
	s2 =	simm.s32 @!p0 $0x1C02  }
0x38: {  	[timem:s3], [sflag:s2] =	dma.local @!p0 [hbm:s0], s1  }
0x39: {  	s0 =	simm.s32 @!p0 $0x2  }
0x3a: {  	_ =	swait.ge @!p0 [sflag:s0], s1  }
0x3b: {  	s1 =	ssub.s32 @!p0 $0x0, s1;
	[sflag:s0] =	ssyncset.done @!p0 $0x0  }
0x3c: {  	[sflag:s0] =	ssyncadd.s32 @!p0 s1  }
0x3d: {  	[bflag:$0x3] =	sbarrier.arrive $0xFFFF  }
0x3e: {  	_ =	shalt  }

</sc_bundles>
